<compile_context>
chip_gen: v7x
topology: tpu7x:2x2x1
jax: 0.10.2.dev20260603
libtpu: 0.0.44.dev20260713+nightly
codegen_flags: <defaults>
</compile_context>

<pallas_src>
import functools

import jax
import jax.numpy as jnp
from jax import lax
from jax.experimental import pallas as pl
from jax.experimental.pallas import tpu as pltpu
from jax.experimental.pallas import tpu_sc as plsc

B = 16384
D = 128
NC = 2
NS = 16
NW = NC * NS
NSPLIT = 1
BS = B // NSPLIT
CMAX = 256

_mesh = plsc.VectorSubcoreMesh(core_axis_name="c", subcore_axis_name="s")


def _make_gather(bs):
    bpw = bs // NW
    c = min(bpw, CMAX)
    nchunk = bpw // c

    @functools.partial(
        pl.kernel,
        mesh=_mesh,
        out_type=(
            jax.ShapeDtypeStruct((bs, D), jnp.float32),
            jax.ShapeDtypeStruct((bs, D), jnp.float32),
            jax.ShapeDtypeStruct((bs,), jnp.float32),
        ),
        compiler_params=pltpu.CompilerParams(
            needs_layout_passes=False, skip_device_barrier=True),
        scratch_types=[
            pltpu.VMEM((bpw,), jnp.int32),
            pltpu.VMEM((bpw,), jnp.int32),
            pltpu.VMEM((c, D), jnp.float32),
            pltpu.VMEM((c, D), jnp.float32),
            pltpu.VMEM((bpw,), jnp.float32),
            pltpu.SemaphoreType.DMA,
            pltpu.SemaphoreType.DMA,
            pltpu.SemaphoreType.DMA,
        ],
    )
    def gather_sc(sid_hbm, qid_hbm, se_hbm, df_hbm, disc_hbm,
                  seg_hbm, dfg_hbm, discg_hbm,
                  sid_v, qid_v, se_v, df_v, disc_v,
                  sem_se, sem_df, sem_disc):
        wid = lax.axis_index("s") * NC + lax.axis_index("c")
        base = wid * bpw

        pltpu.sync_copy(sid_hbm.at[pl.ds(base, bpw)], sid_v)
        pltpu.sync_copy(qid_hbm.at[pl.ds(base, bpw)], qid_v)
        cp_disc = pltpu.async_copy(disc_hbm.at[qid_v], disc_v, sem_disc)

        for i in range(nchunk):
            cp_se = pltpu.async_copy(
                se_hbm.at[sid_v.at[pl.ds(i * c, c)]], se_v, sem_se)
            cp_df = pltpu.async_copy(
                df_hbm.at[qid_v.at[pl.ds(i * c, c)]], df_v, sem_df)
            cp_se.wait()
            pltpu.sync_copy(se_v, seg_hbm.at[pl.ds(base + i * c, c)])
            cp_df.wait()
            pltpu.sync_copy(df_v, dfg_hbm.at[pl.ds(base + i * c, c)])

        cp_disc.wait()
        pltpu.sync_copy(disc_v, discg_hbm.at[pl.ds(base, bpw)])

    return gather_sc


def _tc_body(seg_ref, dfg_ref, q_ref, disc_ref, out_ref):
    prof = jax.nn.sigmoid(seg_ref[...])
    diff = jax.nn.sigmoid(dfg_ref[...])
    s = jnp.sum((prof - diff) * q_ref[...], axis=1)
    out_ref[...] = jax.nn.sigmoid(jax.nn.sigmoid(disc_ref[...]) * s)


def _make_tc(bs, bb=4096):
    return pl.pallas_call(
        _tc_body,
        grid=(bs // bb,),
        in_specs=[
            pl.BlockSpec((bb, D), lambda i: (i, 0)),
            pl.BlockSpec((bb, D), lambda i: (i, 0)),
            pl.BlockSpec((bb, D), lambda i: (i, 0)),
            pl.BlockSpec((bb,), lambda i: (i,)),
        ],
        out_specs=pl.BlockSpec((bb,), lambda i: (i,)),
        out_shape=jax.ShapeDtypeStruct((bs,), jnp.float32),
    )


_gather_slice = _make_gather(BS)
_tc_slice = _make_tc(BS)


def kernel(student_id, question, q_matrix_line, student_emb, difficulty, discrimination):
    sid = student_id.astype(jnp.int32)
    qid = question.astype(jnp.int32)
    disc1 = discrimination.reshape(-1)
    outs = []
    for s in range(NSPLIT):
        sl = slice(s * BS, (s + 1) * BS)
        seg, dfg, discg = _gather_slice(sid[sl], qid[sl], student_emb,
                                        difficulty, disc1)
        outs.append(_tc_slice(seg, dfg, q_matrix_line[sl], discg))
    if NSPLIT == 1:
        return outs[0]
    return jnp.concatenate(outs, axis=0)

# --- scband reference (transcript-rebuilt; emitter-appended) ---
"""Pipeline reference for scband-compute-if-71700184039593 (READ-ONLY COPY).

The authoritative reference and input builder live on the scoring server;
editing this copy changes nothing except your own understanding.
"""

import jax, jax.numpy as jnp
import numpy as np

STUDENT_NUM = 100000
EXERCISE_NUM = 100000
KNOWLEDGE_NUM = 128
BATCH = 16384


def _xavier(key, shape):
    fan_in, fan_out = shape[0], shape[1]
    std = float(np.sqrt(2.0 / (fan_in + fan_out)))
    return jax.random.normal(key, shape, dtype=jnp.float32) * std


def setup_inputs(seed: int = 0) -> dict:
    key = jax.random.key(seed)
    k1, k2, k3, k4, k5, k6 = jax.random.split(key, 6)
    student_id = jax.random.randint(k1, (BATCH,), 0, STUDENT_NUM, dtype=jnp.int64) if jax.config.jax_enable_x64 else jax.random.randint(k1, (BATCH,), 0, STUDENT_NUM, dtype=jnp.int32)
    question = jax.random.randint(k2, (BATCH,), 0, EXERCISE_NUM, dtype=jnp.int32)
    q_matrix_line = jax.random.uniform(k3, (BATCH, KNOWLEDGE_NUM), dtype=jnp.float32)
    student_emb = _xavier(k4, (STUDENT_NUM, KNOWLEDGE_NUM))
    difficulty = _xavier(k5, (EXERCISE_NUM, KNOWLEDGE_NUM))
    discrimination = _xavier(k6, (EXERCISE_NUM, 1))
    return {
        "student_id": student_id,
        "question": question,
        "q_matrix_line": q_matrix_line,
        "student_emb": student_emb,
        "difficulty": difficulty,
        "discrimination": discrimination,
    }


def _interaction_func(discrimination, theta_minus_b, q_matrix_line):
    # IRT/MIRT-style interaction: disc * sum over knowledge concepts of
    # (proficiency - difficulty) masked by the Q-matrix row.
    return discrimination * jnp.sum(theta_minus_b * q_matrix_line, axis=-1, keepdims=True)


def reference(student_id, question, q_matrix_line, student_emb, difficulty, discrimination):
    proficiency_level = jax.nn.sigmoid(jnp.take(student_emb, student_id, axis=0))
    diff = jax.nn.sigmoid(jnp.take(difficulty, question, axis=0))
    disc = jax.nn.sigmoid(jnp.take(discrimination, question, axis=0))
    input_x = _interaction_func(disc, proficiency_level - diff, q_matrix_line)
    output = jax.nn.sigmoid(input_x)
    return output.reshape(-1)

if __name__ == "__main__":
    import jax
    _d = setup_inputs()
    print(jax.jit(kernel)(*tuple(_d.values())))

</pallas_src>

<mosaic_0001>
#map = affine_map<(d0, d1) -> (0)>
#map1 = affine_map<(d0, d1) -> (0, 0)>
module attributes {stable_mosaic.version = 14 : i64} {
  func.func @gather_sc(%arg0: i32, %arg1: i32, %arg2: memref<16384xi32, #tpu.memory_space<hbm>>, %arg3: memref<16384xi32, #tpu.memory_space<hbm>>, %arg4: memref<100000x128xf32, #tpu.memory_space<hbm>>, %arg5: memref<100000x128xf32, #tpu.memory_space<hbm>>, %arg6: memref<100000xf32, #tpu.memory_space<hbm>>, %arg7: memref<16384x128xf32, #tpu.memory_space<hbm>>, %arg8: memref<16384x128xf32, #tpu.memory_space<hbm>>, %arg9: memref<16384xf32, #tpu.memory_space<hbm>>, %arg10: memref<512xi32, #tpu.memory_space<vmem>>, %arg11: memref<512xi32, #tpu.memory_space<vmem>>, %arg12: memref<256x128xf32, #tpu.memory_space<vmem>>, %arg13: memref<256x128xf32, #tpu.memory_space<vmem>>, %arg14: memref<512xf32, #tpu.memory_space<vmem>>, %arg15: memref<!tpu.dma_semaphore, #tpu.memory_space<semaphore_mem>>, %arg16: memref<!tpu.dma_semaphore, #tpu.memory_space<semaphore_mem>>, %arg17: memref<!tpu.dma_semaphore, #tpu.memory_space<semaphore_mem>>) attributes {dimension_semantics = [#tpu.dimension_semantics<core_parallel>, #tpu.dimension_semantics<subcore_parallel>], iteration_bounds = array<i64: 2, 16>, scalar_prefetch = 0 : i64, scratch_operands = 8 : i64, tpu.core_type = #tpu.core_type<sc_vector_subcore>, window_params = [{transform_indices = #map}, {transform_indices = #map}, {transform_indices = #map1}, {transform_indices = #map1}, {transform_indices = #map}, {transform_indices = #map1}, {transform_indices = #map1}, {transform_indices = #map}]} {
    %mul3A = arith.constant 2 : i32
    %mul3A_0 = arith.muli %arg1, %mul3A : i32
    %add3A = arith.addi %mul3A_0, %arg0 : i32
    %mul3A_1 = arith.constant 512 : i32
    %mul3A_2 = arith.muli %add3A, %mul3A_1 : i32
    "tpu.region"() ({
      %run_scoped3A = tpu.sem_alloc : memref<!tpu.dma_semaphore, #tpu.memory_space<semaphore_mem>>
      %dma_start3A_53 = tpu.memref_slice %arg2[%mul3A_2] : memref<16384xi32, #tpu.memory_space<hbm>> -> memref<512xi32, #tpu.memory_space<hbm>>
      %dma_start3A_54 = tpu.memref_slice %arg2[%mul3A_2] : memref<16384xi32, #tpu.memory_space<hbm>> -> memref<512xi32, #tpu.memory_space<hbm>>
      tpu.enqueue_dma source(%dma_start3A_54 : memref<512xi32, #tpu.memory_space<hbm>>) target(%arg10 : memref<512xi32, #tpu.memory_space<vmem>>) target_semaphore(%run_scoped3A : memref<!tpu.dma_semaphore, #tpu.memory_space<semaphore_mem>>)
      %dma_wait3A_55 = tpu.memref_slice %arg2[%mul3A_2] : memref<16384xi32, #tpu.memory_space<hbm>> -> memref<512xi32, #tpu.memory_space<hbm>>
      %dma_wait3A_56 = tpu.memref_slice %arg2[%mul3A_2] : memref<16384xi32, #tpu.memory_space<hbm>> -> memref<512xi32, #tpu.memory_space<hbm>>
      tpu.wait_dma2 semaphore(%run_scoped3A : memref<!tpu.dma_semaphore, #tpu.memory_space<semaphore_mem>>) src(%dma_wait3A_56 : memref<512xi32, #tpu.memory_space<hbm>>) dst(%arg10 : memref<512xi32, #tpu.memory_space<vmem>>)
      tpu.yield
    }) : () -> ()
    "tpu.region"() ({
      %run_scoped3A = tpu.sem_alloc : memref<!tpu.dma_semaphore, #tpu.memory_space<semaphore_mem>>
      %dma_start3A_53 = tpu.memref_slice %arg3[%mul3A_2] : memref<16384xi32, #tpu.memory_space<hbm>> -> memref<512xi32, #tpu.memory_space<hbm>>
      %dma_start3A_54 = tpu.memref_slice %arg3[%mul3A_2] : memref<16384xi32, #tpu.memory_space<hbm>> -> memref<512xi32, #tpu.memory_space<hbm>>
      tpu.enqueue_dma source(%dma_start3A_54 : memref<512xi32, #tpu.memory_space<hbm>>) target(%arg11 : memref<512xi32, #tpu.memory_space<vmem>>) target_semaphore(%run_scoped3A : memref<!tpu.dma_semaphore, #tpu.memory_space<semaphore_mem>>)
      %dma_wait3A_55 = tpu.memref_slice %arg3[%mul3A_2] : memref<16384xi32, #tpu.memory_space<hbm>> -> memref<512xi32, #tpu.memory_space<hbm>>
      %dma_wait3A_56 = tpu.memref_slice %arg3[%mul3A_2] : memref<16384xi32, #tpu.memory_space<hbm>> -> memref<512xi32, #tpu.memory_space<hbm>>
      tpu.wait_dma2 semaphore(%run_scoped3A : memref<!tpu.dma_semaphore, #tpu.memory_space<semaphore_mem>>) src(%dma_wait3A_56 : memref<512xi32, #tpu.memory_space<hbm>>) dst(%arg11 : memref<512xi32, #tpu.memory_space<vmem>>)
      tpu.yield
    }) : () -> ()
    %dma_start3A = arith.constant 0 : i32
    %dma_start3A_3 = tpu.memref_slice %arg6[%dma_start3A] : memref<100000xf32, #tpu.memory_space<hbm>> -> memref<100000xf32, #tpu.memory_space<hbm>>
    tpu.enqueue_indirect_dma source(%dma_start3A_3 : memref<100000xf32, #tpu.memory_space<hbm>>) target(%arg14 : memref<512xf32, #tpu.memory_space<vmem>>) offsets(%arg11 : memref<512xi32, #tpu.memory_space<vmem>>) semaphore(%arg17 : memref<!tpu.dma_semaphore, #tpu.memory_space<semaphore_mem>>)
    %dma_start3A_4 = arith.constant 0 : i32
    %dma_start3A_5 = tpu.memref_slice %arg10[%dma_start3A_4] : memref<512xi32, #tpu.memory_space<vmem>> -> memref<256xi32, #tpu.memory_space<vmem>>
    %dma_start3A_6 = arith.constant 0 : i32
    %dma_start3A_7 = arith.constant 0 : i32
    %dma_start3A_8 = tpu.memref_slice %arg4[%dma_start3A_6, %dma_start3A_7] : memref<100000x128xf32, #tpu.memory_space<hbm>> -> memref<100000x128xf32, #tpu.memory_space<hbm>>
    tpu.enqueue_indirect_dma source(%dma_start3A_8 : memref<100000x128xf32, #tpu.memory_space<hbm>>) target(%arg12 : memref<256x128xf32, #tpu.memory_space<vmem>>) offsets(%dma_start3A_5 : memref<256xi32, #tpu.memory_space<vmem>>) semaphore(%arg15 : memref<!tpu.dma_semaphore, #tpu.memory_space<semaphore_mem>>)
    %dma_start3A_9 = arith.constant 0 : i32
    %dma_start3A_10 = tpu.memref_slice %arg11[%dma_start3A_9] : memref<512xi32, #tpu.memory_space<vmem>> -> memref<256xi32, #tpu.memory_space<vmem>>
    %dma_start3A_11 = arith.constant 0 : i32
    %dma_start3A_12 = arith.constant 0 : i32
    %dma_start3A_13 = tpu.memref_slice %arg5[%dma_start3A_11, %dma_start3A_12] : memref<100000x128xf32, #tpu.memory_space<hbm>> -> memref<100000x128xf32, #tpu.memory_space<hbm>>
    tpu.enqueue_indirect_dma source(%dma_start3A_13 : memref<100000x128xf32, #tpu.memory_space<hbm>>) target(%arg13 : memref<256x128xf32, #tpu.memory_space<vmem>>) offsets(%dma_start3A_10 : memref<256xi32, #tpu.memory_space<vmem>>) semaphore(%arg16 : memref<!tpu.dma_semaphore, #tpu.memory_space<semaphore_mem>>)
    %dma_wait3A = arith.constant 0 : i32
    %dma_wait3A_14 = tpu.memref_slice %arg10[%dma_wait3A] : memref<512xi32, #tpu.memory_space<vmem>> -> memref<256xi32, #tpu.memory_space<vmem>>
    %dma_wait3A_15 = arith.constant 0 : i32
    %dma_wait3A_16 = arith.constant 0 : i32
    %dma_wait3A_17 = tpu.memref_slice %arg4[%dma_wait3A_15, %dma_wait3A_16] : memref<100000x128xf32, #tpu.memory_space<hbm>> -> memref<100000x128xf32, #tpu.memory_space<hbm>>
    tpu.wait_indirect_dma semaphore(%arg15 : memref<!tpu.dma_semaphore, #tpu.memory_space<semaphore_mem>>) src(%dma_wait3A_17 : memref<100000x128xf32, #tpu.memory_space<hbm>>) dst(%arg12 : memref<256x128xf32, #tpu.memory_space<vmem>>)
    %add3A_18 = arith.constant 0 : i32
    %add3A_19 = arith.addi %mul3A_2, %add3A_18 : i32
    "tpu.region"() ({
      %run_scoped3A = tpu.sem_alloc : memref<!tpu.dma_semaphore, #tpu.memory_space<semaphore_mem>>
      %dma_start3A_53 = arith.constant 0 : i32
      %dma_start3A_54 = tpu.memref_slice %arg7[%add3A_19, %dma_start3A_53] : memref<16384x128xf32, #tpu.memory_space<hbm>> -> memref<256x128xf32, #tpu.memory_space<hbm>>
      %dma_start3A_55 = arith.constant 0 : i32
      %dma_start3A_56 = tpu.memref_slice %arg7[%add3A_19, %dma_start3A_55] : memref<16384x128xf32, #tpu.memory_space<hbm>> -> memref<256x128xf32, #tpu.memory_space<hbm>>
      tpu.enqueue_dma source(%arg12 : memref<256x128xf32, #tpu.memory_space<vmem>>) target(%dma_start3A_56 : memref<256x128xf32, #tpu.memory_space<hbm>>) target_semaphore(%run_scoped3A : memref<!tpu.dma_semaphore, #tpu.memory_space<semaphore_mem>>)
      %dma_wait3A_57 = arith.constant 0 : i32
      %dma_wait3A_58 = tpu.memref_slice %arg7[%add3A_19, %dma_wait3A_57] : memref<16384x128xf32, #tpu.memory_space<hbm>> -> memref<256x128xf32, #tpu.memory_space<hbm>>
      %dma_wait3A_59 = arith.constant 0 : i32
      %dma_wait3A_60 = tpu.memref_slice %arg7[%add3A_19, %dma_wait3A_59] : memref<16384x128xf32, #tpu.memory_space<hbm>> -> memref<256x128xf32, #tpu.memory_space<hbm>>
      tpu.wait_dma2 semaphore(%run_scoped3A : memref<!tpu.dma_semaphore, #tpu.memory_space<semaphore_mem>>) src(%arg12 : memref<256x128xf32, #tpu.memory_space<vmem>>) dst(%dma_wait3A_60 : memref<256x128xf32, #tpu.memory_space<hbm>>)
      tpu.yield
    }) : () -> ()
    %dma_wait3A_20 = arith.constant 0 : i32
    %dma_wait3A_21 = tpu.memref_slice %arg11[%dma_wait3A_20] : memref<512xi32, #tpu.memory_space<vmem>> -> memref<256xi32, #tpu.memory_space<vmem>>
    %dma_wait3A_22 = arith.constant 0 : i32
    %dma_wait3A_23 = arith.constant 0 : i32
    %dma_wait3A_24 = tpu.memref_slice %arg5[%dma_wait3A_22, %dma_wait3A_23] : memref<100000x128xf32, #tpu.memory_space<hbm>> -> memref<100000x128xf32, #tpu.memory_space<hbm>>
    tpu.wait_indirect_dma semaphore(%arg16 : memref<!tpu.dma_semaphore, #tpu.memory_space<semaphore_mem>>) src(%dma_wait3A_24 : memref<100000x128xf32, #tpu.memory_space<hbm>>) dst(%arg13 : memref<256x128xf32, #tpu.memory_space<vmem>>)
    %add3A_25 = arith.constant 0 : i32
    %add3A_26 = arith.addi %mul3A_2, %add3A_25 : i32
    "tpu.region"() ({
      %run_scoped3A = tpu.sem_alloc : memref<!tpu.dma_semaphore, #tpu.memory_space<semaphore_mem>>
      %dma_start3A_53 = arith.constant 0 : i32
      %dma_start3A_54 = tpu.memref_slice %arg8[%add3A_26, %dma_start3A_53] : memref<16384x128xf32, #tpu.memory_space<hbm>> -> memref<256x128xf32, #tpu.memory_space<hbm>>
      %dma_start3A_55 = arith.constant 0 : i32
      %dma_start3A_56 = tpu.memref_slice %arg8[%add3A_26, %dma_start3A_55] : memref<16384x128xf32, #tpu.memory_space<hbm>> -> memref<256x128xf32, #tpu.memory_space<hbm>>
      tpu.enqueue_dma source(%arg13 : memref<256x128xf32, #tpu.memory_space<vmem>>) target(%dma_start3A_56 : memref<256x128xf32, #tpu.memory_space<hbm>>) target_semaphore(%run_scoped3A : memref<!tpu.dma_semaphore, #tpu.memory_space<semaphore_mem>>)
      %dma_wait3A_57 = arith.constant 0 : i32
      %dma_wait3A_58 = tpu.memref_slice %arg8[%add3A_26, %dma_wait3A_57] : memref<16384x128xf32, #tpu.memory_space<hbm>> -> memref<256x128xf32, #tpu.memory_space<hbm>>
      %dma_wait3A_59 = arith.constant 0 : i32
      %dma_wait3A_60 = tpu.memref_slice %arg8[%add3A_26, %dma_wait3A_59] : memref<16384x128xf32, #tpu.memory_space<hbm>> -> memref<256x128xf32, #tpu.memory_space<hbm>>
      tpu.wait_dma2 semaphore(%run_scoped3A : memref<!tpu.dma_semaphore, #tpu.memory_space<semaphore_mem>>) src(%arg13 : memref<256x128xf32, #tpu.memory_space<vmem>>) dst(%dma_wait3A_60 : memref<256x128xf32, #tpu.memory_space<hbm>>)
      tpu.yield
    }) : () -> ()
    %dma_start3A_27 = arith.constant 256 : i32
    %dma_start3A_28 = tpu.memref_slice %arg10[%dma_start3A_27] : memref<512xi32, #tpu.memory_space<vmem>> -> memref<256xi32, #tpu.memory_space<vmem>>
    %dma_start3A_29 = arith.constant 0 : i32
    %dma_start3A_30 = arith.constant 0 : i32
    %dma_start3A_31 = tpu.memref_slice %arg4[%dma_start3A_29, %dma_start3A_30] : memref<100000x128xf32, #tpu.memory_space<hbm>> -> memref<100000x128xf32, #tpu.memory_space<hbm>>
    tpu.enqueue_indirect_dma source(%dma_start3A_31 : memref<100000x128xf32, #tpu.memory_space<hbm>>) target(%arg12 : memref<256x128xf32, #tpu.memory_space<vmem>>) offsets(%dma_start3A_28 : memref<256xi32, #tpu.memory_space<vmem>>) semaphore(%arg15 : memref<!tpu.dma_semaphore, #tpu.memory_space<semaphore_mem>>)
    %dma_start3A_32 = arith.constant 256 : i32
    %dma_start3A_33 = tpu.memref_slice %arg11[%dma_start3A_32] : memref<512xi32, #tpu.memory_space<vmem>> -> memref<256xi32, #tpu.memory_space<vmem>>
    %dma_start3A_34 = arith.constant 0 : i32
    %dma_start3A_35 = arith.constant 0 : i32
    %dma_start3A_36 = tpu.memref_slice %arg5[%dma_start3A_34, %dma_start3A_35] : memref<100000x128xf32, #tpu.memory_space<hbm>> -> memref<100000x128xf32, #tpu.memory_space<hbm>>
    tpu.enqueue_indirect_dma source(%dma_start3A_36 : memref<100000x128xf32, #tpu.memory_space<hbm>>) target(%arg13 : memref<256x128xf32, #tpu.memory_space<vmem>>) offsets(%dma_start3A_33 : memref<256xi32, #tpu.memory_space<vmem>>) semaphore(%arg16 : memref<!tpu.dma_semaphore, #tpu.memory_space<semaphore_mem>>)
    %dma_wait3A_37 = arith.constant 256 : i32
    %dma_wait3A_38 = tpu.memref_slice %arg10[%dma_wait3A_37] : memref<512xi32, #tpu.memory_space<vmem>> -> memref<256xi32, #tpu.memory_space<vmem>>
    %dma_wait3A_39 = arith.constant 0 : i32
    %dma_wait3A_40 = arith.constant 0 : i32
    %dma_wait3A_41 = tpu.memref_slice %arg4[%dma_wait3A_39, %dma_wait3A_40] : memref<100000x128xf32, #tpu.memory_space<hbm>> -> memref<100000x128xf32, #tpu.memory_space<hbm>>
    tpu.wait_indirect_dma semaphore(%arg15 : memref<!tpu.dma_semaphore, #tpu.memory_space<semaphore_mem>>) src(%dma_wait3A_41 : memref<100000x128xf32, #tpu.memory_space<hbm>>) dst(%arg12 : memref<256x128xf32, #tpu.memory_space<vmem>>)
    %add3A_42 = arith.constant 256 : i32
    %add3A_43 = arith.addi %mul3A_2, %add3A_42 : i32
    "tpu.region"() ({
      %run_scoped3A = tpu.sem_alloc : memref<!tpu.dma_semaphore, #tpu.memory_space<semaphore_mem>>
      %dma_start3A_53 = arith.constant 0 : i32
      %dma_start3A_54 = tpu.memref_slice %arg7[%add3A_43, %dma_start3A_53] : memref<16384x128xf32, #tpu.memory_space<hbm>> -> memref<256x128xf32, #tpu.memory_space<hbm>>
      %dma_start3A_55 = arith.constant 0 : i32
      %dma_start3A_56 = tpu.memref_slice %arg7[%add3A_43, %dma_start3A_55] : memref<16384x128xf32, #tpu.memory_space<hbm>> -> memref<256x128xf32, #tpu.memory_space<hbm>>
      tpu.enqueue_dma source(%arg12 : memref<256x128xf32, #tpu.memory_space<vmem>>) target(%dma_start3A_56 : memref<256x128xf32, #tpu.memory_space<hbm>>) target_semaphore(%run_scoped3A : memref<!tpu.dma_semaphore, #tpu.memory_space<semaphore_mem>>)
      %dma_wait3A_57 = arith.constant 0 : i32
      %dma_wait3A_58 = tpu.memref_slice %arg7[%add3A_43, %dma_wait3A_57] : memref<16384x128xf32, #tpu.memory_space<hbm>> -> memref<256x128xf32, #tpu.memory_space<hbm>>
      %dma_wait3A_59 = arith.constant 0 : i32
      %dma_wait3A_60 = tpu.memref_slice %arg7[%add3A_43, %dma_wait3A_59] : memref<16384x128xf32, #tpu.memory_space<hbm>> -> memref<256x128xf32, #tpu.memory_space<hbm>>
      tpu.wait_dma2 semaphore(%run_scoped3A : memref<!tpu.dma_semaphore, #tpu.memory_space<semaphore_mem>>) src(%arg12 : memref<256x128xf32, #tpu.memory_space<vmem>>) dst(%dma_wait3A_60 : memref<256x128xf32, #tpu.memory_space<hbm>>)
      tpu.yield
    }) : () -> ()
    %dma_wait3A_44 = arith.constant 256 : i32
    %dma_wait3A_45 = tpu.memref_slice %arg11[%dma_wait3A_44] : memref<512xi32, #tpu.memory_space<vmem>> -> memref<256xi32, #tpu.memory_space<vmem>>
    %dma_wait3A_46 = arith.constant 0 : i32
    %dma_wait3A_47 = arith.constant 0 : i32
    %dma_wait3A_48 = tpu.memref_slice %arg5[%dma_wait3A_46, %dma_wait3A_47] : memref<100000x128xf32, #tpu.memory_space<hbm>> -> memref<100000x128xf32, #tpu.memory_space<hbm>>
    tpu.wait_indirect_dma semaphore(%arg16 : memref<!tpu.dma_semaphore, #tpu.memory_space<semaphore_mem>>) src(%dma_wait3A_48 : memref<100000x128xf32, #tpu.memory_space<hbm>>) dst(%arg13 : memref<256x128xf32, #tpu.memory_space<vmem>>)
    %add3A_49 = arith.constant 256 : i32
    %add3A_50 = arith.addi %mul3A_2, %add3A_49 : i32
    "tpu.region"() ({
      %run_scoped3A = tpu.sem_alloc : memref<!tpu.dma_semaphore, #tpu.memory_space<semaphore_mem>>
      %dma_start3A_53 = arith.constant 0 : i32
      %dma_start3A_54 = tpu.memref_slice %arg8[%add3A_50, %dma_start3A_53] : memref<16384x128xf32, #tpu.memory_space<hbm>> -> memref<256x128xf32, #tpu.memory_space<hbm>>
      %dma_start3A_55 = arith.constant 0 : i32
      %dma_start3A_56 = tpu.memref_slice %arg8[%add3A_50, %dma_start3A_55] : memref<16384x128xf32, #tpu.memory_space<hbm>> -> memref<256x128xf32, #tpu.memory_space<hbm>>
      tpu.enqueue_dma source(%arg13 : memref<256x128xf32, #tpu.memory_space<vmem>>) target(%dma_start3A_56 : memref<256x128xf32, #tpu.memory_space<hbm>>) target_semaphore(%run_scoped3A : memref<!tpu.dma_semaphore, #tpu.memory_space<semaphore_mem>>)
      %dma_wait3A_57 = arith.constant 0 : i32
      %dma_wait3A_58 = tpu.memref_slice %arg8[%add3A_50, %dma_wait3A_57] : memref<16384x128xf32, #tpu.memory_space<hbm>> -> memref<256x128xf32, #tpu.memory_space<hbm>>
      %dma_wait3A_59 = arith.constant 0 : i32
      %dma_wait3A_60 = tpu.memref_slice %arg8[%add3A_50, %dma_wait3A_59] : memref<16384x128xf32, #tpu.memory_space<hbm>> -> memref<256x128xf32, #tpu.memory_space<hbm>>
      tpu.wait_dma2 semaphore(%run_scoped3A : memref<!tpu.dma_semaphore, #tpu.memory_space<semaphore_mem>>) src(%arg13 : memref<256x128xf32, #tpu.memory_space<vmem>>) dst(%dma_wait3A_60 : memref<256x128xf32, #tpu.memory_space<hbm>>)
      tpu.yield
    }) : () -> ()
    %dma_wait3A_51 = arith.constant 0 : i32
    %dma_wait3A_52 = tpu.memref_slice %arg6[%dma_wait3A_51] : memref<100000xf32, #tpu.memory_space<hbm>> -> memref<100000xf32, #tpu.memory_space<hbm>>
    tpu.wait_indirect_dma semaphore(%arg17 : memref<!tpu.dma_semaphore, #tpu.memory_space<semaphore_mem>>) src(%dma_wait3A_52 : memref<100000xf32, #tpu.memory_space<hbm>>) dst(%arg14 : memref<512xf32, #tpu.memory_space<vmem>>)
    "tpu.region"() ({
      %run_scoped3A = tpu.sem_alloc : memref<!tpu.dma_semaphore, #tpu.memory_space<semaphore_mem>>
      %dma_start3A_53 = tpu.memref_slice %arg9[%mul3A_2] : memref<16384xf32, #tpu.memory_space<hbm>> -> memref<512xf32, #tpu.memory_space<hbm>>
      %dma_start3A_54 = tpu.memref_slice %arg9[%mul3A_2] : memref<16384xf32, #tpu.memory_space<hbm>> -> memref<512xf32, #tpu.memory_space<hbm>>
      tpu.enqueue_dma source(%arg14 : memref<512xf32, #tpu.memory_space<vmem>>) target(%dma_start3A_54 : memref<512xf32, #tpu.memory_space<hbm>>) target_semaphore(%run_scoped3A : memref<!tpu.dma_semaphore, #tpu.memory_space<semaphore_mem>>)
      %dma_wait3A_55 = tpu.memref_slice %arg9[%mul3A_2] : memref<16384xf32, #tpu.memory_space<hbm>> -> memref<512xf32, #tpu.memory_space<hbm>>
      %dma_wait3A_56 = tpu.memref_slice %arg9[%mul3A_2] : memref<16384xf32, #tpu.memory_space<hbm>> -> memref<512xf32, #tpu.memory_space<hbm>>
      tpu.wait_dma2 semaphore(%run_scoped3A : memref<!tpu.dma_semaphore, #tpu.memory_space<semaphore_mem>>) src(%arg14 : memref<512xf32, #tpu.memory_space<vmem>>) dst(%dma_wait3A_56 : memref<512xf32, #tpu.memory_space<hbm>>)
      tpu.yield
    }) : () -> ()
    return
  }
}

module attributes {stable_mosaic.version = 14 : i64} {
  func.func @_tc_body(%arg0: i32, %arg1: memref<4096x128xf32, #tpu.memory_space<vmem>>, %arg2: memref<4096x128xf32, #tpu.memory_space<vmem>>, %arg3: memref<4096x128xf32, #tpu.memory_space<vmem>>, %arg4: memref<4096xf32, #tpu.memory_space<vmem>>, %arg5: memref<4096xf32, #tpu.memory_space<vmem>>) attributes {dimension_semantics = [#tpu.dimension_semantics<arbitrary>], iteration_bounds = array<i64: 4>, scalar_prefetch = 0 : i64, scratch_operands = 0 : i64, tpu.core_type = #tpu.core_type<tc>, window_params = [{transform_indices = @transform_0, window_bounds = array<i64: 4096, 128>}, {transform_indices = @transform_1, window_bounds = array<i64: 4096, 128>}, {transform_indices = @transform_2, window_bounds = array<i64: 4096, 128>}, {transform_indices = @transform_3, window_bounds = array<i64: 4096>}, {transform_indices = @transform_4, window_bounds = array<i64: 4096>}]} {
    %get3A = arith.constant 0 : index
    %get3A_0 = arith.constant 0 : index
    %get3A_1 = vector.load %arg1[%get3A, %get3A_0] : memref<4096x128xf32, #tpu.memory_space<vmem>>, vector<4096x128xf32>
    %logistic3A = arith.negf %get3A_1 : vector<4096x128xf32>
    %logistic3A_2 = math.exp %logistic3A : vector<4096x128xf32>
    %logistic3A_3 = arith.constant 1.000000e+00 : f32
    %logistic3A_4 = vector.broadcast %logistic3A_3 : f32 to vector<4096x128xf32>
    %logistic3A_5 = arith.addf %logistic3A_4, %logistic3A_2 : vector<4096x128xf32>
    %logistic3A_6 = arith.divf %logistic3A_4, %logistic3A_5 : vector<4096x128xf32>
    %get3A_7 = arith.constant 0 : index
    %get3A_8 = arith.constant 0 : index
    %get3A_9 = vector.load %arg2[%get3A_7, %get3A_8] : memref<4096x128xf32, #tpu.memory_space<vmem>>, vector<4096x128xf32>
    %logistic3A_10 = arith.negf %get3A_9 : vector<4096x128xf32>
    %logistic3A_11 = math.exp %logistic3A_10 : vector<4096x128xf32>
    %logistic3A_12 = arith.constant 1.000000e+00 : f32
    %logistic3A_13 = vector.broadcast %logistic3A_12 : f32 to vector<4096x128xf32>
    %logistic3A_14 = arith.addf %logistic3A_13, %logistic3A_11 : vector<4096x128xf32>
    %logistic3A_15 = arith.divf %logistic3A_13, %logistic3A_14 : vector<4096x128xf32>
    %sub3A = arith.subf %logistic3A_6, %logistic3A_15 : vector<4096x128xf32>
    %get3A_16 = arith.constant 0 : index
    %get3A_17 = arith.constant 0 : index
    %get3A_18 = vector.load %arg3[%get3A_16, %get3A_17] : memref<4096x128xf32, #tpu.memory_space<vmem>>, vector<4096x128xf32>
    %mul3A = arith.mulf %sub3A, %get3A_18 : vector<4096x128xf32>
    %reduce_sum3A = arith.constant dense<0.000000e+00> : vector<4096xf32>
    %reduce_sum3A_19 = vector.multi_reduction <add>, %mul3A, %reduce_sum3A [1] : vector<4096x128xf32> to vector<4096xf32>
    %get3A_20 = arith.constant 0 : index
    %get3A_21 = vector.load %arg4[%get3A_20] : memref<4096xf32, #tpu.memory_space<vmem>>, vector<4096xf32>
    %logistic3A_22 = arith.negf %get3A_21 : vector<4096xf32>
    %logistic3A_23 = math.exp %logistic3A_22 : vector<4096xf32>
    %logistic3A_24 = arith.constant 1.000000e+00 : f32
    %logistic3A_25 = vector.broadcast %logistic3A_24 : f32 to vector<4096xf32>
    %logistic3A_26 = arith.addf %logistic3A_25, %logistic3A_23 : vector<4096xf32>
    %logistic3A_27 = arith.divf %logistic3A_25, %logistic3A_26 : vector<4096xf32>
    %mul3A_28 = arith.mulf %logistic3A_27, %reduce_sum3A_19 : vector<4096xf32>
    %logistic3A_29 = arith.negf %mul3A_28 : vector<4096xf32>
    %logistic3A_30 = math.exp %logistic3A_29 : vector<4096xf32>
    %logistic3A_31 = arith.constant 1.000000e+00 : f32
    %logistic3A_32 = vector.broadcast %logistic3A_31 : f32 to vector<4096xf32>
    %logistic3A_33 = arith.addf %logistic3A_32, %logistic3A_30 : vector<4096xf32>
    %logistic3A_34 = arith.divf %logistic3A_32, %logistic3A_33 : vector<4096xf32>
    %swap3A = arith.constant 0 : index
    %swap3A_35 = vector.load %arg5[%swap3A] : memref<4096xf32, #tpu.memory_space<vmem>>, vector<4096xf32>
    tpu.vector_store %arg5[%swap3A], %logistic3A_34 {strides = array<i32>} : memref<4096xf32, #tpu.memory_space<vmem>>, vector<4096xf32>,
    return
  }
  func.func @transform_0(%arg0: i32) -> (i32, i32) {
    %c0_i32 = arith.constant 0 : i32
    %c0_i32_0 = arith.constant 0 : i32
    return %arg0, %c0_i32 : i32, i32
  }
  func.func @transform_1(%arg0: i32) -> (i32, i32) {
    %c0_i32 = arith.constant 0 : i32
    %c0_i32_0 = arith.constant 0 : i32
    return %arg0, %c0_i32 : i32, i32
  }
  func.func @transform_2(%arg0: i32) -> (i32, i32) {
    %c0_i32 = arith.constant 0 : i32
    %c0_i32_0 = arith.constant 0 : i32
    return %arg0, %c0_i32 : i32, i32
  }
  func.func @transform_3(%arg0: i32) -> i32 {
    %c0_i32 = arith.constant 0 : i32
    return %arg0 : i32
  }
  func.func @transform_4(%arg0: i32) -> i32 {
    %c0_i32 = arith.constant 0 : i32
    return %arg0 : i32
  }
}

</mosaic_0001>

<sc_bundles>
// kernel: kernel.4.cloned.1.call-start
scs
__scs_entry_jumppad:
0x0: {  	(pc) =	sbr.rel $0x88, $3  }
0x1: {  	(tag) =	ssettag $0x0;
	lr =	simm.s32 $0x1  }
0x2: {  	[smem:$0x3F9B] =	sst lr;
	_ =	strace $0xD0000000  }
0x3: {  	_ = 	snop  }
0x4: {  	_ = 	snop  }
0x5: {  	_ = 	snop  }
0x6: {  	_ = 	snop  }
0x7: {  	_ = 	snop  }
__scs_overlays_trampoline_lowered:
0x8: {  	[smem:$0x3FAA] =	sst s0  }
0x9: {  	[smem:$0x3FAB] =	sst s1  }
0xa: {  	[smem:$0x3FAC] =	sst s2  }
0xb: {  	[smem:$0x3FAD] =	sst s3  }
0xc: {  	[smem:$0x3FAE] =	sst s4  }
0xd: {  	[smem:$0x3FAF] =	sst s5  }
0xe: {  	[smem:$0x3FB0] =	sst s6  }
0xf: {  	[smem:$0x3FB1] =	sst s7  }
0x10: {  	[smem:$0x3FB2] =	sst s8  }
0x11: {  	[smem:$0x3FB3] =	sst s9;
	s0 =	simm.s32 @!p0 $0x0  }
0x12: {  	s1 =	sld [smem:$0x3F99];
	s0 =	simm.s32 @p0 $0x1  }
0x13: {  	[smem:$0x3FB4] =	sst s0;
	s0 =	simm.s32 @!p1 $0x0  }
0x14: {  	s2 =	sld [smem:$0x3F98];
	s0 =	simm.s32 @p1 $0x1  }
0x15: {  	[smem:$0x3FB5] =	sst s0;
	s0 =	simm.s32 @!p2 $0x0  }
0x16: {  	s3 =	sld [smem:$0x3FDB];
	s0 =	simm.s32 @p2 $0x1  }
0x17: {  	s4 =	simm.s32 $0x1BF5;
	[smem:$0x3FB7] =	sst s0  }
0x18: {  	s0 =	sld [smem:$0x3F9A];
	_ =	swait.ge [sflag:s4], $0x0  }
0x19: {  	s7 =	sld [smem:$0x3F9B]  }
0x1a: {  	s8 =	sadd.s32 $0xFFFFE003, lr  }
0x1b: {  	s9 =	sadd.s32 $0xFFFFFEF7, lr;
	s5 =	simm.s32 $0xFFFFFFFF;
	p2 =	slt.u32 s8, $0xFFFFF086  }
0x1c: {  	p1 =	slt.u32 s9, $0xF7A;
	s5 =	simm.s32 @!p2 $0x0  }
0x1d: {  	s5 =	simm.s32 @p1 $0x1;
	p0 =	seq.s32 s7, s2  }
0x1e: {  	s7 =	smul.u32 @!p0 $0xF7A, s2;
	p2 =	seq.s32 @!p0 s5, $0x0  }
0x1f: {  	s9 =	smul.u32 $0xF7A, s1;
	s8 =	simm.s32 @!p0 $0x1BF5;
	p2 =	por !p2, p0  }
0x20: {  	[sflag:s8] =	ssyncset.s32 @!p0 $0xFFFFF086;
	s6 =	sadd.s32 @!p0 s3, s7;
	s7 =	simm.s32 @!p0 $0x108  }
0x21: {  	s3 =	sadd.s32 s3, s9;
	s6 =	sadd.s32 @!p0 $0x88, s6;
	s7 =	simm.s32 @p2 $0x1082  }
0x22: {  	[simem:s7], [sflag:s8] =	dma.local @!p0 [hbm:s6], $0xF7A  }
0x23: {  	s9 =	sor.u32 $0xD0000000, s2;
	s6 =	simm.s32 $0x108;
	_ =	swait.ge @!p0 [sflag:s8], $0x0  }
0x24: {  	s3 =	sadd.s32 $0x88, s3;
	s6 =	simm.s32 @!p1 $0x1082;
	[sflag:s4] =	ssyncset.s32 $0xFFFFF086  }
0x25: {  	[simem:s6], [sflag:s4] =	dma.local [hbm:s3], $0xF7A  }
0x26: {  	[smem:$0x3F9B] =	sst s1;
	(tag) =	ssettag s2;
	_ =	strace s9  }
0x27: {  	s1 =	sld [smem:$0x3FAB]  }
0x28: {  	s2 =	sld [smem:$0x3FAC]  }
0x29: {  	s4 =	sld [smem:$0x3FAE]  }
0x2a: {  	p0 =	seq.s32 s5, $0x0;
	s5 =	sld [smem:$0x3FAF]  }
0x2b: {  	s6 =	sld [smem:$0x3FB0]  }
0x2c: {  	s7 =	sld [smem:$0x3FB1]  }
0x2d: {  	s3 =	simm.s32 $0x108;
	s8 =	sld [smem:$0x3FB2]  }
0x2e: {  	s3 =	simm.s32 @!p0 $0x1082;
	s9 =	sld [smem:$0x3FB3]  }
0x2f: {  	lr =	sadd.s32 s0, s3;
	s0 =	sld [smem:$0x3FAA]  }
0x30: {  	s3 =	sld [smem:$0x3FAD]  }
0x31: {  	[smem:$0x3FB6] =	sst s10  }
0x32: {  	s10 =	sld [smem:$0x3FB4];
	_ =	sdelay $0x3  }
0x33: {  	p0 =	seq.s32 s10, $0x1;
	s10 =	sld [smem:$0x3FB6];
	_ =	sdelay $0x3  }
0x34: {  	[smem:$0x3FB6] =	sst s10  }
0x35: {  	s10 =	sld [smem:$0x3FB5];
	_ =	sdelay $0x3  }
0x36: {  	p1 =	seq.s32 s10, $0x1;
	s10 =	sld [smem:$0x3FB6];
	_ =	sdelay $0x3  }
0x37: {  	[smem:$0x3FB6] =	sst s10  }
0x38: {  	s10 =	sld [smem:$0x3FB7]  }
0x39: {  	_ = 	snop;
	(pc) =	sbr.ind lr, $3  }
0x3a: {  	_ = 	snop  }
0x3b: {  	_ = 	snop  }
0x3c: {  	p2 =	seq.s32 s10, $0x1;
	s10 =	sld [smem:$0x3FB6]  }
0x3d: {  	_ =	shalt  }
0x3e: {  	_ =	shalt  }
0x3f: {  	_ =	shalt  }
0x40: {  	_ =	shalt  }
0x41: {  	_ =	shalt  }
0x42: {  	_ =	shalt  }
0x43: {  	_ =	shalt  }
0x44: {  	_ =	shalt  }
0x45: {  	_ =	shalt  }
0x46: {  	_ =	shalt  }
0x47: {  	_ =	shalt  }
0x48: {  	_ =	shalt  }
0x49: {  	_ =	shalt  }
0x4a: {  	_ =	shalt  }
0x4b: {  	_ =	shalt  }
0x4c: {  	_ =	shalt  }
0x4d: {  	_ =	shalt  }
0x4e: {  	_ =	shalt  }
0x4f: {  	_ =	shalt  }
0x50: {  	_ =	shalt  }
0x51: {  	_ =	shalt  }
0x52: {  	_ =	shalt  }
0x53: {  	_ =	shalt  }
0x54: {  	_ =	shalt  }
0x55: {  	_ =	shalt  }
0x56: {  	_ =	shalt  }
0x57: {  	_ =	shalt  }
0x58: {  	_ =	shalt  }
0x59: {  	_ =	shalt  }
0x5a: {  	_ =	shalt  }
0x5b: {  	_ =	shalt  }
0x5c: {  	_ =	shalt  }
0x5d: {  	_ =	shalt  }
0x5e: {  	_ =	shalt  }
0x5f: {  	_ =	shalt  }
0x60: {  	_ =	shalt  }
0x61: {  	_ =	shalt  }
0x62: {  	_ =	shalt  }
0x63: {  	_ =	shalt  }
0x64: {  	_ =	shalt  }
0x65: {  	_ =	shalt  }
0x66: {  	_ =	shalt  }
0x67: {  	_ =	shalt  }
0x68: {  	_ =	shalt  }
0x69: {  	_ =	shalt  }
0x6a: {  	_ =	shalt  }
0x6b: {  	_ =	shalt  }
0x6c: {  	_ =	shalt  }
0x6d: {  	_ =	shalt  }
0x6e: {  	_ =	shalt  }
0x6f: {  	_ =	shalt  }
0x70: {  	_ =	shalt  }
0x71: {  	_ =	shalt  }
0x72: {  	_ =	shalt  }
0x73: {  	_ =	shalt  }
0x74: {  	_ =	shalt  }
0x75: {  	_ =	shalt  }
0x76: {  	_ =	shalt  }
0x77: {  	_ =	shalt  }
0x78: {  	_ =	shalt  }
0x79: {  	_ =	shalt  }
0x7a: {  	_ =	shalt  }
0x7b: {  	_ =	shalt  }
0x7c: {  	_ =	shalt  }
0x7d: {  	_ =	shalt  }
0x7e: {  	_ =	shalt  }
0x7f: {  	_ =	shalt  }
0x80: {  	_ =	shalt  }
0x81: {  	_ =	shalt  }
0x82: {  	_ =	shalt  }
0x83: {  	_ =	shalt  }
0x84: {  	_ =	shalt  }
0x85: {  	_ =	shalt  }
0x86: {  	_ =	shalt  }
0x87: {  	_ =	shalt  }
.Lfunc_end0:
.L_simem_size_0:
called_computation_lowered:
.L_overlay_start_0:
0x88: {  	s2 =	sld [smem:$0x3FD9]  }
0x89: {  	s3 =	sld [smem:$0x3FFE];
	_ =	sdelay $0x1  }
0x8a: {  	s1 =	srdreg.scid  }
0x8b: {  	s0 =	sand.u32 $0x1, s1  }
0x8c: {  	s17 =	sshll.u32 s0, $0xA;
	s2 =	sadd.s32 s3, s2  }
0x8d: {  	s2 =	sadd.s32 s2, s17  }
0x8e: {  	[smem:$0x3FC2] =	sst s2  }
0x8f: {  	_ = 	snop  }
0x90: {  	s2 =	sld [smem:$0x3FC9]  }
0x91: {  	s18 =	sld [smem:$0x3FC8]  }
0x92: {  	s4 =	sld [smem:$0x3FC6]  }
0x93: {  	s5 =	sld [smem:$0x3FC5]  }
0x94: {  	s6 =	sld [smem:$0x3FD0];
	(tm) =	ssettm $0x1  }
0x95: {  	s7 =	sld [smem:$0x3FFB];
	_ =	sdelay $0x3  }
0x96: {  	_ =	strace s7  }
0x97: {  	s7 =	sld [smem:$0x3FFC];
	_ =	sdelay $0x3  }
0x98: {  	_ =	strace s7  }
0x99: {  	s7 =	sld [smem:$0x3FFD];
	_ =	sdelay $0x3  }
0x9a: {  	_ =	strace s7  }
0x9b: {  	_ =	strace $0x8FFFFFFF  }
0x9c: {  	s19 =	sld [smem:$0x3FDB];
	_ =	sdelay $0x1  }
0x9d: {  	s8 =	simm.s32 $_scs_section_size  }
0x9e: {  	s9 =	simm.s32 $_size__tile_overlayer_lowered;
	s10 =	simm.s32 $_tile_overlayer_lowered  }
0x9f: {  	s22 =	simm.s32 $0x1BFF;
	s21 =	sshll.u32 s10, $0x1;
	s7 =	sadd.s32 s8, s19  }
0xa0: {  	s11 =	simm.s32 $0x0;
	s20 =	sshll.u32 s9, $0x1;
	s9 =	sadd.s32 s21, s7  }
0xa1: {  	[timem:s11], [sflag:s22] =	dma.local [hbm:s9], s20  }
0xa2: {  	_ =	swait.ge [sflag:s22], s20  }
0xa3: {  	s8 =	ssub.s32 $0x0, s20;
	[sflag:s22] =	ssyncset.done $0x0  }
0xa4: {  	[sflag:s22] =	ssyncadd.s32 s8;
	_ =	sdelay $0x1  }
0xa5: {  	s23 =	simm.s32 $0x1B8B  }
0xa6: {  	_ =	swait.ge [sflag:s23], $0x1  }
0xa7: {  	[sflag:s23] =	ssyncset.done $0x0  }
0xa8: {  	s25 =	simm.s32 $0x1B8E;
	s24 =	sld [smem:$0x3FFE];
	[sflag:s23] =	ssyncadd.s32 $0xFFFFFFFF  }
0xa9: {  	s26 =	simm.s32 $execute0_lowered;
	[smem:$0x3FD2] =	sst s25  }
0xaa: {  	s9 =	sshll.u32 s26, $0x1;
	_ =	strace $0x80000046;
	[dreg:$0x1] =	wrdreg $0xFFFFFFFF  }
0xab: {  	s28 =	simm.s32 $_size_execute0_lowered;
	s7 =	sadd.s32 s7, s9;
	[dreg:$0x0] =	wrdreg $0x0  }
0xac: {  	s9 =	sshll.u32 s28, $0x1;
	[dreg:$0x2] =	wrdreg s7  }
0xad: {  	[dreg:$0x3] =	wrdreg s9  }
0xae: {  	[dreg:$0x4] =	wrdreg $0xC0  }
0xaf: {  	_ =	task [dreg:s11], $0x5FFFF  }
0xb0: {  	[dreg:$0x1] =	wrdreg $0xFFFFFFFF  }
0xb1: {  	[dreg:$0x0] =	wrdreg $0x60  }
0xb2: {  	[dreg:$0x2] =	wrdreg s2  }
0xb3: {  	[dreg:$0x3] =	wrdreg s18  }
0xb4: {  	[dreg:$0x4] =	wrdreg s4  }
0xb5: {  	[dreg:$0x5] =	wrdreg s5  }
0xb6: {  	[dreg:$0x6] =	wrdreg s24  }
0xb7: {  	[dreg:$0x7] =	wrdreg s6  }
0xb8: {  	[dreg:$0x8] =	wrdreg $0x9  }
0xb9: {  	_ =	task.clear_ibuf [dreg:s11], $0x9FFFF;
	_ =	strace $0x90000046  }
0xba: {  	s29 =	simm.s32 $0x9;
	_ =	strace $0x80000048  }
0xbb: {  	_ =	swait.ge [sflag:s29], $0x1  }
0xbc: {  	[sflag:s29] =	ssyncadd.s32 $0xFFFFFFFF  }
0xbd: {  	_ =	strace $0x90000048  }
0xbe: {  	_ =	sfence  }
0xbf: {  	s30 =	sld [smem:$0x0];
	_ =	sdelay $0x2  }
0xc0: {  	s31 =	sshll.u32 s1, $0xD;
	s1 =	sshrl.u32 s1, $0x2  }
0xc1: {  	s3 =	sand.u32 $0x4000, s31;
	s1 =	sadd.s32 s1, s30  }
0xc2: {  	s0 =	sor.u32 s3, s0;
	s1 =	sshll.u32 s1, $0x11  }
0xc3: {  	s0 =	sor.u32 s1, s0  }
0xc4: {  	s0 =	sadd.s32 $0x8F2B, s0  }
0xc5: {  	[sflag:s0] =	ssyncadd.remote.s32 $0x1  }
0xc6: {  	_ =	sfence.sel $0xFFFF  }
0xc7: {  	[dreg:$0x0] =	wrdreg $0xFFFFFFFF;
	(pc) =	sbr.abs _section_cstart, $3  }
0xc8: {  	[dreg:$0x1] =	wrdreg $0xFFFFFFFF  }
0xc9: {  	_ =	task.clear_ibuf [dreg:s11], $0x2FFFF;
	_ =	strace $0x9FFFFFFF  }
0xca: {  	(tm) =	ssettm $0x7FFFFFFF  }
0xcb: {  	_ =	shalt  }
tec
execute0_lowered:
.L_overlay_start_1:
0x0: {  	(tag) =	ssettag $0x1  }
0x1: {  	s5 =	rddreg [dreg:$0x0]  }
0x2: {  	s7 =	rddreg [dreg:$0x1]  }
0x3: {  	s1 =	rddreg [dreg:$0x2]  }
0x4: {  	s2 =	rddreg [dreg:$0x3];
	s3 =	srdreg.scid  }
0x5: {  	s17 =	rddreg [dreg:$0x4];
	s0 =	stileid.u32;
	s21 =	sand.u32 $0x1, s3  }
0x6: {  	s22 =	rddreg [dreg:$0x5];
	s6 =	sshll.u32 s0, $0xA;
	s8 =	sshll.u32 s21, $0x9  }
0x7: {  	s4 =	simm.s32 $0x0;
	s3 =	rddreg [dreg:$0x6];
	s15 =	sor.u32 s8, s6  }
0x8: {  	[smem:$0x7FF] =	sst s4;
	s23 =	sshrl.u32 s15, $0x3  }
0x9: {  	_ =	strace $0x80000047;
	s6 =	sadd.s32 s5, s23;
	s5 =	simm.s32 $0x4  }
0xa: {  	[tilespmem:s4], [sflag:$0x4] =	stream.linear.gather [hbm4b:s6+s4], $0x200, $0x38;
	[tilespmem:$0x10600] =	vst v63  }
0xb: {  	_ =	swait.ge [sflag:s5], $0x200  }
0xc: {  	[sflag:s5] =	ssyncset.done $0x0  }
0xd: {  	s8 =	simm.s32 $0x200;
	s7 =	sadd.s32 s7, s23;
	[sflag:s5] =	ssyncadd.s32 $0xFFFFFE00  }
0xe: {  	[tilespmem:s8], [sflag:$0x4] =	stream.linear.gather [hbm4b:s7+s4], $0x200, $0x38;
	[tilespmem:$0x10600] =	vst v63  }
0xf: {  	_ =	swait.ge [sflag:s5], $0x200  }
0x10: {  	[sflag:s5] =	ssyncset.done $0x0  }
0x11: {  	s10 =	simm.s32 $0x10400;
	s9 =	sadd.s32 $0xA00, s17;
	[sflag:s5] =	ssyncadd.s32 $0xFFFFFE00  }
0x12: {  	[tilespmem:s10], [sflag:$0x3] =	stream.indirect.gather [hbm4b:s9+s8], $0x1, s8, s8, $0xb8;
	[tilespmem:$0x10600] =	vst v63  }
0x13: {  	s11 =	simm.s32 $0x100;
	s12 =	simm.s32 $0x400  }
0x14: {  	[tilespmem:s12], [sflag:$0x1] =	stream.indirect.gather [hbm4b:s1+s11], $0x80, s4, s11, $0xb8;
	[tilespmem:$0x10600] =	vst v63  }
0x15: {  	s13 =	simm.s32 $0x8400;
	s14 =	simm.s32 $0x1  }
0x16: {  	[tilespmem:s13], [sflag:$0x2] =	stream.indirect.gather [hbm4b:s2+s11], $0x80, s8, s11, $0xb8;
	[tilespmem:$0x10600] =	vst v63  }
0x17: {  	_ =	swait.ge [sflag:s14], $0x8000  }
0x18: {  	s19 =	sadd.s32 $0x3C00, s17;
	s20 =	sshll.u32 s15, $0x4;
	[sflag:s14] =	ssyncset.done $0x0  }
0x19: {  	s15 =	sadd.s32 s19, s20;
	[sflag:s14] =	ssyncadd.s32 $0xFFFF8000  }
0x1a: {  	[hbm4b:s15+s4] =	stream.linear.scatter [tilespmem:s12], [sflag:$0x4], $0x8000, $0x38;
	[tilespmem:$0x10600] =	vst v63  }
0x1b: {  	_ =	swait.ge [sflag:s5], $0x8000  }
0x1c: {  	[sflag:s5] =	ssyncset.done $0x0  }
0x1d: {  	s16 =	simm.s32 $0x2;
	[sflag:s5] =	ssyncadd.s32 $0xFFFF8000  }
0x1e: {  	_ =	swait.ge [sflag:s16], $0x8000  }
0x1f: {  	s24 =	sadd.s32 $0x43C00, s17;
	[sflag:s16] =	ssyncset.done $0x0  }
0x20: {  	s17 =	sadd.s32 s24, s20;
	[sflag:s16] =	ssyncadd.s32 $0xFFFF8000  }
0x21: {  	[hbm4b:s17+s4] =	stream.linear.scatter [tilespmem:s13], [sflag:$0x4], $0x8000, $0x38;
	[tilespmem:$0x10600] =	vst v63  }
0x22: {  	_ =	swait.ge [sflag:s5], $0x8000  }
0x23: {  	[sflag:s5] =	ssyncset.done $0x0  }
0x24: {  	[sflag:s5] =	ssyncadd.s32 $0xFFFF8000  }
0x25: {  	[tilespmem:s12], [sflag:$0x1] =	stream.indirect.gather [hbm4b:s1+s11], $0x80, s11, s11, $0xb8;
	[tilespmem:$0x10600] =	vst v63  }
0x26: {  	s18 =	simm.s32 $0x300  }
0x27: {  	[tilespmem:s13], [sflag:$0x2] =	stream.indirect.gather [hbm4b:s2+s11], $0x80, s18, s11, $0xb8;
	[tilespmem:$0x10600] =	vst v63  }
0x28: {  	_ =	swait.ge [sflag:s14], $0x8000  }
0x29: {  	s20 =	sor.u32 $0x1000, s20;
	[sflag:s14] =	ssyncset.done $0x0  }
0x2a: {  	s19 =	sadd.s32 s19, s20;
	[sflag:s14] =	ssyncadd.s32 $0xFFFF8000  }
0x2b: {  	[hbm4b:s19+s4] =	stream.linear.scatter [tilespmem:s12], [sflag:$0x4], $0x8000, $0x38;
	[tilespmem:$0x10600] =	vst v63  }
0x2c: {  	_ =	swait.ge [sflag:s5], $0x8000  }
0x2d: {  	[sflag:s5] =	ssyncset.done $0x0  }
0x2e: {  	[sflag:s5] =	ssyncadd.s32 $0xFFFF8000  }
0x2f: {  	_ =	swait.ge [sflag:s16], $0x8000  }
0x30: {  	[sflag:s16] =	ssyncset.done $0x0  }
0x31: {  	s30 =	ssub.s32 $0x2, s21;
	s20 =	sadd.s32 s24, s20;
	[sflag:s16] =	ssyncadd.s32 $0xFFFF8000  }
0x32: {  	[hbm4b:s20+s4] =	stream.linear.scatter [tilespmem:s13], [sflag:$0x4], $0x8000, $0x38;
	[tilespmem:$0x10600] =	vst v63  }
0x33: {  	s25 =	sshrl.u32 s30, $0x1;
	_ =	swait.ge [sflag:s5], $0x8000  }
0x34: {  	s24 =	ssub.s32 s30, s25;
	[sflag:s5] =	ssyncset.done $0x0  }
0x35: {  	s21 =	simm.s32 $0x3;
	s31 =	smax.u32 s24, $0x1;
	[sflag:s5] =	ssyncadd.s32 $0xFFFF8000  }
0x36: {  	p0 =	sne.s32 s31, $0x1;
	_ =	swait.ge [sflag:s21], $0x200  }
.Ltmp0:
0x37: {  	[sflag:s21] =	ssyncset.done $0x0;
	(pc) =	sbr.rel @!p0 .LBB2_2-.Ltmp0, $4  }
0x38: {  	s22 =	sadd.s32 s22, s23;
	[sflag:s21] =	ssyncadd.s32 $0xFFFFFE00  }
0x39: {  	[hbm4b:s22+s4] =	stream.linear.scatter [tilespmem:s10], [sflag:$0x4], $0x200, $0x38;
	[tilespmem:$0x10600] =	vst v63  }
0x3a: {  	_ =	swait.ge [sflag:s5], $0x200  }
0x3b: {  	s23 =	sadd.s32 $0xFFFFFFFF, s31;
	[sflag:s5] =	ssyncset.done $0x0  }
.LBB2_1:
0x3c: {  	p0 =	sne.s32 s23, $0x1;
	s23 =	sadd.s32 $0xFFFFFFFF, s23;
	[sflag:s5] =	ssyncadd.s32 $0xFFFFFE00  }
0x3d: {  	[tilespmem:s4], [sflag:$0x4] =	stream.linear.gather [hbm4b:s6+s4], $0x200, $0x38;
	[tilespmem:$0x10600] =	vst v63  }
0x3e: {  	_ =	swait.ge [sflag:s5], $0x200  }
0x3f: {  	[sflag:s5] =	ssyncset.done $0x0  }
0x40: {  	[sflag:s5] =	ssyncadd.s32 $0xFFFFFE00  }
0x41: {  	[tilespmem:s8], [sflag:$0x4] =	stream.linear.gather [hbm4b:s7+s4], $0x200, $0x38;
	[tilespmem:$0x10600] =	vst v63  }
0x42: {  	_ =	swait.ge [sflag:s5], $0x200  }
0x43: {  	[sflag:s5] =	ssyncset.done $0x0  }
0x44: {  	[sflag:s5] =	ssyncadd.s32 $0xFFFFFE00  }
0x45: {  	[tilespmem:s10], [sflag:$0x3] =	stream.indirect.gather [hbm4b:s9+s8], $0x1, s8, s8, $0xb8;
	[tilespmem:$0x10600] =	vst v63  }
0x46: {  	_ = 	snop  }
0x47: {  	[tilespmem:s12], [sflag:$0x1] =	stream.indirect.gather [hbm4b:s1+s11], $0x80, s4, s11, $0xb8;
	[tilespmem:$0x10600] =	vst v63  }
0x48: {  	_ = 	snop  }
0x49: {  	[tilespmem:s13], [sflag:$0x2] =	stream.indirect.gather [hbm4b:s2+s11], $0x80, s8, s11, $0xb8;
	[tilespmem:$0x10600] =	vst v63  }
0x4a: {  	_ =	swait.ge [sflag:s14], $0x8000  }
0x4b: {  	[sflag:s14] =	ssyncset.done $0x0  }
0x4c: {  	[sflag:s14] =	ssyncadd.s32 $0xFFFF8000  }
0x4d: {  	[hbm4b:s15+s4] =	stream.linear.scatter [tilespmem:s12], [sflag:$0x4], $0x8000, $0x38;
	[tilespmem:$0x10600] =	vst v63  }
0x4e: {  	_ =	swait.ge [sflag:s5], $0x8000  }
0x4f: {  	[sflag:s5] =	ssyncset.done $0x0  }
0x50: {  	[sflag:s5] =	ssyncadd.s32 $0xFFFF8000  }
0x51: {  	_ =	swait.ge [sflag:s16], $0x8000  }
0x52: {  	[sflag:s16] =	ssyncset.done $0x0  }
0x53: {  	[sflag:s16] =	ssyncadd.s32 $0xFFFF8000  }
0x54: {  	[hbm4b:s17+s4] =	stream.linear.scatter [tilespmem:s13], [sflag:$0x4], $0x8000, $0x38;
	[tilespmem:$0x10600] =	vst v63  }
0x55: {  	_ =	swait.ge [sflag:s5], $0x8000  }
0x56: {  	[sflag:s5] =	ssyncset.done $0x0  }
0x57: {  	[sflag:s5] =	ssyncadd.s32 $0xFFFF8000  }
0x58: {  	[tilespmem:s12], [sflag:$0x1] =	stream.indirect.gather [hbm4b:s1+s11], $0x80, s11, s11, $0xb8;
	[tilespmem:$0x10600] =	vst v63  }
0x59: {  	_ = 	snop  }
0x5a: {  	[tilespmem:s13], [sflag:$0x2] =	stream.indirect.gather [hbm4b:s2+s11], $0x80, s18, s11, $0xb8;
	[tilespmem:$0x10600] =	vst v63  }
0x5b: {  	_ =	swait.ge [sflag:s14], $0x8000  }
0x5c: {  	[sflag:s14] =	ssyncset.done $0x0  }
0x5d: {  	[sflag:s14] =	ssyncadd.s32 $0xFFFF8000  }
0x5e: {  	[hbm4b:s19+s4] =	stream.linear.scatter [tilespmem:s12], [sflag:$0x4], $0x8000, $0x38;
	[tilespmem:$0x10600] =	vst v63  }
0x5f: {  	_ =	swait.ge [sflag:s5], $0x8000  }
0x60: {  	[sflag:s5] =	ssyncset.done $0x0  }
0x61: {  	[sflag:s5] =	ssyncadd.s32 $0xFFFF8000  }
0x62: {  	_ =	swait.ge [sflag:s16], $0x8000  }
0x63: {  	[sflag:s16] =	ssyncset.done $0x0  }
0x64: {  	[sflag:s16] =	ssyncadd.s32 $0xFFFF8000  }
0x65: {  	[hbm4b:s20+s4] =	stream.linear.scatter [tilespmem:s13], [sflag:$0x4], $0x8000, $0x38;
	[tilespmem:$0x10600] =	vst v63  }
0x66: {  	_ =	swait.ge [sflag:s5], $0x8000  }
0x67: {  	[sflag:s5] =	ssyncset.done $0x0  }
0x68: {  	[sflag:s5] =	ssyncadd.s32 $0xFFFF8000  }
0x69: {  	_ =	swait.ge [sflag:s21], $0x200  }
.Ltmp1:
0x6a: {  	[sflag:s21] =	ssyncset.done $0x0;
	(pc) =	sbr.rel @p0 .LBB2_1-.Ltmp1, $4  }
0x6b: {  	[sflag:s21] =	ssyncadd.s32 $0xFFFFFE00  }
0x6c: {  	[hbm4b:s22+s4] =	stream.linear.scatter [tilespmem:s10], [sflag:$0x4], $0x200, $0x38;
	[tilespmem:$0x10600] =	vst v63  }
0x6d: {  	_ =	swait.ge [sflag:s5], $0x200  }
0x6e: {  	[sflag:s5] =	ssyncset.done $0x0  }
.LBB2_2:
0x6f: {  	[sflag:s5] =	ssyncadd.s32 $0xFFFFFE00  }
0x70: {  	_ =	sfence.sel $0x180000  }
0x71: {  	[bflag:$0x0] =	sbarrier.arrive $0xFFFF  }
0x72: {  	p0 =	sne.s32 s0, $0x0;
	_ =	strace $0x90000047  }
0x73: {  	s0 =	sadd.s32 @!p0 $0x100000, s3;
	[bflag:$0x2] =	sbarrier.arrive $0xFFFF  }
0x74: {  	[sflag:s0] =	ssyncadd.tile.s32 @!p0 $0x1;
	_ =	shalt  }
.Lfunc_end2:
_tile_overlayer_lowered:
.L_overlay_start_2:
0x75: {  	(tag) =	ssettag $0x2  }
0x76: {  	s0 =	rddreg [dreg:$0x0];
	s2 =	stileid.u32  }
0x77: {  	s1 =	rddreg [dreg:$0x1];
	p0 =	sne.s32 s2, $0x0  }
0x78: {  	s3 =	rddreg [dreg:$0x2];
	[bflag:$0x3] =	sbarrier.arrive $0xFFFF;
	s2 =	simm.s32 @!p0 $0x1C04  }
0x79: {  	[timem:s3], [sflag:s2] =	dma.local @!p0 [hbm:s0], s1  }
0x7a: {  	s0 =	simm.s32 @!p0 $0x4  }
0x7b: {  	_ =	swait.ge @!p0 [sflag:s0], s1  }
0x7c: {  	s1 =	ssub.s32 @!p0 $0x0, s1;
	[sflag:s0] =	ssyncset.done @!p0 $0x0  }
0x7d: {  	[sflag:s0] =	ssyncadd.s32 @!p0 s1  }
0x7e: {  	[bflag:$0x3] =	sbarrier.arrive $0xFFFF  }
0x7f: {  	_ =	shalt  }

</sc_bundles>
